<compile_context>
chip_gen: v7x
topology: tpu7x:2x2x1
jax: 0.10.2.dev20260603
libtpu: 0.0.44.dev20260713+nightly
codegen_flags: <defaults>
</compile_context>

<pallas_src>
import functools

import jax
import jax.numpy as jnp
from jax import lax
from jax.experimental import pallas as pl
from jax.experimental.pallas import tpu as pltpu
from jax.experimental.pallas import tpu_sc as plsc

EMB = 64


def _gather_kernel(batch, num_workers):
    b_per_w = batch // num_workers
    mesh = plsc.VectorSubcoreMesh(core_axis_name="c", subcore_axis_name="s")
    num_cores = mesh.num_cores

    @functools.partial(
        pl.kernel,
        out_type=(
            jax.ShapeDtypeStruct((batch, EMB), jnp.float32),
            jax.ShapeDtypeStruct((batch,), jnp.float32),
        ),
        mesh=mesh,
        compiler_params=pltpu.CompilerParams(use_tc_tiling_on_sc=False),
        scratch_types=[
            pltpu.VMEM((b_per_w,), jnp.int32),
            pltpu.VMEM((b_per_w, EMB), jnp.float32),
            pltpu.VMEM((b_per_w,), jnp.float32),
            pltpu.SemaphoreType.DMA,
            pltpu.SemaphoreType.DMA,
        ],
    )
    def k(ids, table, bias, rows_out, bias_out,
          idx_v, rows_v, b_v, sem_r, sem_b):
        wid = lax.axis_index("s") * num_cores + lax.axis_index("c")
        base = wid * b_per_w
        pltpu.sync_copy(ids.at[pl.ds(base, b_per_w)], idx_v)
        cp_r = pltpu.async_copy(table.at[idx_v], rows_v, sem_r)
        cp_b = pltpu.async_copy(bias.at[idx_v], b_v, sem_b)
        cp_r.wait()
        pltpu.sync_copy(rows_v, rows_out.at[pl.ds(base, b_per_w)])
        cp_b.wait()
        pltpu.sync_copy(b_v, bias_out.at[pl.ds(base, b_per_w)])

    return k


def _pred_block(u_ref, i_ref, ub_ref, ib_ref, mean_ref, o_ref):
    prod = u_ref[...] * i_ref[...]
    o_ref[...] = (jnp.sum(prod, axis=1) + ub_ref[...] + ib_ref[...]
                  + mean_ref[0])


def _pred_kernel(batch):
    blk = 2048
    grid = batch // blk
    return pl.pallas_call(
        _pred_block,
        grid=(grid,),
        in_specs=[
            pl.BlockSpec((blk, EMB), lambda i: (i, 0)),
            pl.BlockSpec((blk, EMB), lambda i: (i, 0)),
            pl.BlockSpec((blk,), lambda i: (i,)),
            pl.BlockSpec((blk,), lambda i: (i,)),
            pl.BlockSpec(memory_space=pltpu.SMEM),
        ],
        out_specs=pl.BlockSpec((blk,), lambda i: (i,)),
        out_shape=jax.ShapeDtypeStruct((batch,), jnp.float32),
    )


def kernel(u_id, i_id, user_emb, user_bias, item_emb, item_bias, mean):
    batch = u_id.shape[0]
    info = plsc.get_sparse_core_info()
    num_workers = info.num_cores * info.num_subcores
    gk = _gather_kernel(batch, num_workers)
    U, U_b = gk(u_id.astype(jnp.int32), user_emb,
                jnp.reshape(user_bias, (-1,)))
    I, I_b = gk(i_id.astype(jnp.int32), item_emb,
                jnp.reshape(item_bias, (-1,)))
    pred = _pred_kernel(batch)(U, I, U_b, I_b, mean)
    return (pred, U, I)

# --- scband reference (transcript-rebuilt; emitter-appended) ---
"""Pipeline reference for scband-mf-36962488549378 (READ-ONLY COPY).

The authoritative reference and input builder live on the scoring server;
editing this copy changes nothing except your own understanding.
"""

import jax, jax.numpy as jnp
import numpy as np

NUM_USERS = 1000000
NUM_ITEMS = 1000000
EMB = 64
BATCH = 16384
MEAN = 3.5


def setup_inputs(seed: int = 0) -> dict:
    key = jax.random.key(seed)
    k_u, k_i, k_ue, k_ub, k_ie, k_ib = jax.random.split(key, 6)
    u_id = jax.random.randint(k_u, (BATCH,), 0, NUM_USERS, dtype=jnp.int64 if jax.config.jax_enable_x64 else jnp.int32)
    i_id = jax.random.randint(k_i, (BATCH,), 0, NUM_ITEMS, dtype=jnp.int64 if jax.config.jax_enable_x64 else jnp.int32)
    user_emb = jax.random.normal(k_ue, (NUM_USERS, EMB), dtype=jnp.float32) * 0.1
    user_bias = jax.random.normal(k_ub, (NUM_USERS, 1), dtype=jnp.float32) * 0.1
    item_emb = jax.random.normal(k_ie, (NUM_ITEMS, EMB), dtype=jnp.float32) * 0.1
    item_bias = jax.random.normal(k_ib, (NUM_ITEMS, 1), dtype=jnp.float32) * 0.1
    mean = jnp.asarray([MEAN], dtype=jnp.float32)
    return {"u_id": u_id, "i_id": i_id, "user_emb": user_emb, "user_bias": user_bias, "item_emb": item_emb, "item_bias": item_bias, "mean": mean}


def reference(u_id, i_id, user_emb, user_bias, item_emb, item_bias, mean):
    U = jnp.take(user_emb, u_id, axis=0)            # [B, EMB] gather
    U_b = jnp.take(user_bias, u_id, axis=0)[:, 0]   # [B] gather + squeeze
    I = jnp.take(item_emb, i_id, axis=0)            # [B, EMB] gather
    I_b = jnp.take(item_bias, i_id, axis=0)[:, 0]   # [B] gather + squeeze
    pred = (U * I).sum(axis=1) + U_b + I_b + mean[0]
    return (pred, U, I)

if __name__ == "__main__":
    import jax
    _d = setup_inputs()
    print(jax.jit(kernel)(*tuple(_d.values())))

</pallas_src>

<mosaic_0001>
#map = affine_map<(d0, d1) -> (0)>
#map1 = affine_map<(d0, d1) -> (0, 0)>
module attributes {stable_mosaic.version = 14 : i64} {
  func.func @k(%arg0: i32, %arg1: i32, %arg2: memref<16384xi32, #tpu.memory_space<hbm>>, %arg3: memref<1000000x64xf32, #tpu.memory_space<hbm>>, %arg4: memref<1000000xf32, #tpu.memory_space<hbm>>, %arg5: memref<16384x64xf32, #tpu.memory_space<hbm>>, %arg6: memref<16384xf32, #tpu.memory_space<hbm>>, %arg7: memref<512xi32, #tpu.memory_space<vmem>>, %arg8: memref<512x64xf32, #tpu.memory_space<vmem>>, %arg9: memref<512xf32, #tpu.memory_space<vmem>>, %arg10: memref<!tpu.dma_semaphore, #tpu.memory_space<semaphore_mem>>, %arg11: memref<!tpu.dma_semaphore, #tpu.memory_space<semaphore_mem>>) attributes {dimension_semantics = [#tpu.dimension_semantics<core_parallel>, #tpu.dimension_semantics<subcore_parallel>], iteration_bounds = array<i64: 2, 16>, scalar_prefetch = 0 : i64, scratch_operands = 5 : i64, tpu.core_type = #tpu.core_type<sc_vector_subcore>, window_params = [{transform_indices = #map}, {transform_indices = #map1}, {transform_indices = #map}, {transform_indices = #map1}, {transform_indices = #map}]} {
    %mul3A = arith.constant 2 : i32
    %mul3A_0 = arith.muli %arg1, %mul3A : i32
    %add3A = arith.addi %mul3A_0, %arg0 : i32
    %mul3A_1 = arith.constant 512 : i32
    %mul3A_2 = arith.muli %add3A, %mul3A_1 : i32
    "tpu.region"() ({
      %run_scoped3A = tpu.sem_alloc : memref<!tpu.dma_semaphore, #tpu.memory_space<semaphore_mem>>
      %dma_start3A_11 = tpu.memref_slice %arg2[%mul3A_2] : memref<16384xi32, #tpu.memory_space<hbm>> -> memref<512xi32, #tpu.memory_space<hbm>>
      %dma_start3A_12 = tpu.memref_slice %arg2[%mul3A_2] : memref<16384xi32, #tpu.memory_space<hbm>> -> memref<512xi32, #tpu.memory_space<hbm>>
      tpu.enqueue_dma source(%dma_start3A_12 : memref<512xi32, #tpu.memory_space<hbm>>) target(%arg7 : memref<512xi32, #tpu.memory_space<vmem>>) target_semaphore(%run_scoped3A : memref<!tpu.dma_semaphore, #tpu.memory_space<semaphore_mem>>)
      %dma_wait3A_13 = tpu.memref_slice %arg2[%mul3A_2] : memref<16384xi32, #tpu.memory_space<hbm>> -> memref<512xi32, #tpu.memory_space<hbm>>
      %dma_wait3A_14 = tpu.memref_slice %arg2[%mul3A_2] : memref<16384xi32, #tpu.memory_space<hbm>> -> memref<512xi32, #tpu.memory_space<hbm>>
      tpu.wait_dma2 semaphore(%run_scoped3A : memref<!tpu.dma_semaphore, #tpu.memory_space<semaphore_mem>>) src(%dma_wait3A_14 : memref<512xi32, #tpu.memory_space<hbm>>) dst(%arg7 : memref<512xi32, #tpu.memory_space<vmem>>)
      tpu.yield
    }) : () -> ()
    %dma_start3A = arith.constant 0 : i32
    %dma_start3A_3 = arith.constant 0 : i32
    %dma_start3A_4 = tpu.memref_slice %arg3[%dma_start3A, %dma_start3A_3] : memref<1000000x64xf32, #tpu.memory_space<hbm>> -> memref<1000000x64xf32, #tpu.memory_space<hbm>>
    tpu.enqueue_indirect_dma source(%dma_start3A_4 : memref<1000000x64xf32, #tpu.memory_space<hbm>>) target(%arg8 : memref<512x64xf32, #tpu.memory_space<vmem>>) offsets(%arg7 : memref<512xi32, #tpu.memory_space<vmem>>) semaphore(%arg10 : memref<!tpu.dma_semaphore, #tpu.memory_space<semaphore_mem>>)
    %dma_start3A_5 = arith.constant 0 : i32
    %dma_start3A_6 = tpu.memref_slice %arg4[%dma_start3A_5] : memref<1000000xf32, #tpu.memory_space<hbm>> -> memref<1000000xf32, #tpu.memory_space<hbm>>
    tpu.enqueue_indirect_dma source(%dma_start3A_6 : memref<1000000xf32, #tpu.memory_space<hbm>>) target(%arg9 : memref<512xf32, #tpu.memory_space<vmem>>) offsets(%arg7 : memref<512xi32, #tpu.memory_space<vmem>>) semaphore(%arg11 : memref<!tpu.dma_semaphore, #tpu.memory_space<semaphore_mem>>)
    %dma_wait3A = arith.constant 0 : i32
    %dma_wait3A_7 = arith.constant 0 : i32
    %dma_wait3A_8 = tpu.memref_slice %arg3[%dma_wait3A, %dma_wait3A_7] : memref<1000000x64xf32, #tpu.memory_space<hbm>> -> memref<1000000x64xf32, #tpu.memory_space<hbm>>
    tpu.wait_indirect_dma semaphore(%arg10 : memref<!tpu.dma_semaphore, #tpu.memory_space<semaphore_mem>>) src(%dma_wait3A_8 : memref<1000000x64xf32, #tpu.memory_space<hbm>>) dst(%arg8 : memref<512x64xf32, #tpu.memory_space<vmem>>)
    "tpu.region"() ({
      %run_scoped3A = tpu.sem_alloc : memref<!tpu.dma_semaphore, #tpu.memory_space<semaphore_mem>>
      %dma_start3A_11 = arith.constant 0 : i32
      %dma_start3A_12 = tpu.memref_slice %arg5[%mul3A_2, %dma_start3A_11] : memref<16384x64xf32, #tpu.memory_space<hbm>> -> memref<512x64xf32, #tpu.memory_space<hbm>>
      %dma_start3A_13 = arith.constant 0 : i32
      %dma_start3A_14 = tpu.memref_slice %arg5[%mul3A_2, %dma_start3A_13] : memref<16384x64xf32, #tpu.memory_space<hbm>> -> memref<512x64xf32, #tpu.memory_space<hbm>>
      tpu.enqueue_dma source(%arg8 : memref<512x64xf32, #tpu.memory_space<vmem>>) target(%dma_start3A_14 : memref<512x64xf32, #tpu.memory_space<hbm>>) target_semaphore(%run_scoped3A : memref<!tpu.dma_semaphore, #tpu.memory_space<semaphore_mem>>)
      %dma_wait3A_15 = arith.constant 0 : i32
      %dma_wait3A_16 = tpu.memref_slice %arg5[%mul3A_2, %dma_wait3A_15] : memref<16384x64xf32, #tpu.memory_space<hbm>> -> memref<512x64xf32, #tpu.memory_space<hbm>>
      %dma_wait3A_17 = arith.constant 0 : i32
      %dma_wait3A_18 = tpu.memref_slice %arg5[%mul3A_2, %dma_wait3A_17] : memref<16384x64xf32, #tpu.memory_space<hbm>> -> memref<512x64xf32, #tpu.memory_space<hbm>>
      tpu.wait_dma2 semaphore(%run_scoped3A : memref<!tpu.dma_semaphore, #tpu.memory_space<semaphore_mem>>) src(%arg8 : memref<512x64xf32, #tpu.memory_space<vmem>>) dst(%dma_wait3A_18 : memref<512x64xf32, #tpu.memory_space<hbm>>)
      tpu.yield
    }) : () -> ()
    %dma_wait3A_9 = arith.constant 0 : i32
    %dma_wait3A_10 = tpu.memref_slice %arg4[%dma_wait3A_9] : memref<1000000xf32, #tpu.memory_space<hbm>> -> memref<1000000xf32, #tpu.memory_space<hbm>>
    tpu.wait_indirect_dma semaphore(%arg11 : memref<!tpu.dma_semaphore, #tpu.memory_space<semaphore_mem>>) src(%dma_wait3A_10 : memref<1000000xf32, #tpu.memory_space<hbm>>) dst(%arg9 : memref<512xf32, #tpu.memory_space<vmem>>)
    "tpu.region"() ({
      %run_scoped3A = tpu.sem_alloc : memref<!tpu.dma_semaphore, #tpu.memory_space<semaphore_mem>>
      %dma_start3A_11 = tpu.memref_slice %arg6[%mul3A_2] : memref<16384xf32, #tpu.memory_space<hbm>> -> memref<512xf32, #tpu.memory_space<hbm>>
      %dma_start3A_12 = tpu.memref_slice %arg6[%mul3A_2] : memref<16384xf32, #tpu.memory_space<hbm>> -> memref<512xf32, #tpu.memory_space<hbm>>
      tpu.enqueue_dma source(%arg9 : memref<512xf32, #tpu.memory_space<vmem>>) target(%dma_start3A_12 : memref<512xf32, #tpu.memory_space<hbm>>) target_semaphore(%run_scoped3A : memref<!tpu.dma_semaphore, #tpu.memory_space<semaphore_mem>>)
      %dma_wait3A_13 = tpu.memref_slice %arg6[%mul3A_2] : memref<16384xf32, #tpu.memory_space<hbm>> -> memref<512xf32, #tpu.memory_space<hbm>>
      %dma_wait3A_14 = tpu.memref_slice %arg6[%mul3A_2] : memref<16384xf32, #tpu.memory_space<hbm>> -> memref<512xf32, #tpu.memory_space<hbm>>
      tpu.wait_dma2 semaphore(%run_scoped3A : memref<!tpu.dma_semaphore, #tpu.memory_space<semaphore_mem>>) src(%arg9 : memref<512xf32, #tpu.memory_space<vmem>>) dst(%dma_wait3A_14 : memref<512xf32, #tpu.memory_space<hbm>>)
      tpu.yield
    }) : () -> ()
    return
  }
}

#map = affine_map<(d0, d1) -> (0)>
#map1 = affine_map<(d0, d1) -> (0, 0)>
module attributes {stable_mosaic.version = 14 : i64} {
  func.func @k(%arg0: i32, %arg1: i32, %arg2: memref<16384xi32, #tpu.memory_space<hbm>>, %arg3: memref<1000000x64xf32, #tpu.memory_space<hbm>>, %arg4: memref<1000000xf32, #tpu.memory_space<hbm>>, %arg5: memref<16384x64xf32, #tpu.memory_space<hbm>>, %arg6: memref<16384xf32, #tpu.memory_space<hbm>>, %arg7: memref<512xi32, #tpu.memory_space<vmem>>, %arg8: memref<512x64xf32, #tpu.memory_space<vmem>>, %arg9: memref<512xf32, #tpu.memory_space<vmem>>, %arg10: memref<!tpu.dma_semaphore, #tpu.memory_space<semaphore_mem>>, %arg11: memref<!tpu.dma_semaphore, #tpu.memory_space<semaphore_mem>>) attributes {dimension_semantics = [#tpu.dimension_semantics<core_parallel>, #tpu.dimension_semantics<subcore_parallel>], iteration_bounds = array<i64: 2, 16>, scalar_prefetch = 0 : i64, scratch_operands = 5 : i64, tpu.core_type = #tpu.core_type<sc_vector_subcore>, window_params = [{transform_indices = #map}, {transform_indices = #map1}, {transform_indices = #map}, {transform_indices = #map1}, {transform_indices = #map}]} {
    %mul3A = arith.constant 2 : i32
    %mul3A_0 = arith.muli %arg1, %mul3A : i32
    %add3A = arith.addi %mul3A_0, %arg0 : i32
    %mul3A_1 = arith.constant 512 : i32
    %mul3A_2 = arith.muli %add3A, %mul3A_1 : i32
    "tpu.region"() ({
      %run_scoped3A = tpu.sem_alloc : memref<!tpu.dma_semaphore, #tpu.memory_space<semaphore_mem>>
      %dma_start3A_11 = tpu.memref_slice %arg2[%mul3A_2] : memref<16384xi32, #tpu.memory_space<hbm>> -> memref<512xi32, #tpu.memory_space<hbm>>
      %dma_start3A_12 = tpu.memref_slice %arg2[%mul3A_2] : memref<16384xi32, #tpu.memory_space<hbm>> -> memref<512xi32, #tpu.memory_space<hbm>>
      tpu.enqueue_dma source(%dma_start3A_12 : memref<512xi32, #tpu.memory_space<hbm>>) target(%arg7 : memref<512xi32, #tpu.memory_space<vmem>>) target_semaphore(%run_scoped3A : memref<!tpu.dma_semaphore, #tpu.memory_space<semaphore_mem>>)
      %dma_wait3A_13 = tpu.memref_slice %arg2[%mul3A_2] : memref<16384xi32, #tpu.memory_space<hbm>> -> memref<512xi32, #tpu.memory_space<hbm>>
      %dma_wait3A_14 = tpu.memref_slice %arg2[%mul3A_2] : memref<16384xi32, #tpu.memory_space<hbm>> -> memref<512xi32, #tpu.memory_space<hbm>>
      tpu.wait_dma2 semaphore(%run_scoped3A : memref<!tpu.dma_semaphore, #tpu.memory_space<semaphore_mem>>) src(%dma_wait3A_14 : memref<512xi32, #tpu.memory_space<hbm>>) dst(%arg7 : memref<512xi32, #tpu.memory_space<vmem>>)
      tpu.yield
    }) : () -> ()
    %dma_start3A = arith.constant 0 : i32
    %dma_start3A_3 = arith.constant 0 : i32
    %dma_start3A_4 = tpu.memref_slice %arg3[%dma_start3A, %dma_start3A_3] : memref<1000000x64xf32, #tpu.memory_space<hbm>> -> memref<1000000x64xf32, #tpu.memory_space<hbm>>
    tpu.enqueue_indirect_dma source(%dma_start3A_4 : memref<1000000x64xf32, #tpu.memory_space<hbm>>) target(%arg8 : memref<512x64xf32, #tpu.memory_space<vmem>>) offsets(%arg7 : memref<512xi32, #tpu.memory_space<vmem>>) semaphore(%arg10 : memref<!tpu.dma_semaphore, #tpu.memory_space<semaphore_mem>>)
    %dma_start3A_5 = arith.constant 0 : i32
    %dma_start3A_6 = tpu.memref_slice %arg4[%dma_start3A_5] : memref<1000000xf32, #tpu.memory_space<hbm>> -> memref<1000000xf32, #tpu.memory_space<hbm>>
    tpu.enqueue_indirect_dma source(%dma_start3A_6 : memref<1000000xf32, #tpu.memory_space<hbm>>) target(%arg9 : memref<512xf32, #tpu.memory_space<vmem>>) offsets(%arg7 : memref<512xi32, #tpu.memory_space<vmem>>) semaphore(%arg11 : memref<!tpu.dma_semaphore, #tpu.memory_space<semaphore_mem>>)
    %dma_wait3A = arith.constant 0 : i32
    %dma_wait3A_7 = arith.constant 0 : i32
    %dma_wait3A_8 = tpu.memref_slice %arg3[%dma_wait3A, %dma_wait3A_7] : memref<1000000x64xf32, #tpu.memory_space<hbm>> -> memref<1000000x64xf32, #tpu.memory_space<hbm>>
    tpu.wait_indirect_dma semaphore(%arg10 : memref<!tpu.dma_semaphore, #tpu.memory_space<semaphore_mem>>) src(%dma_wait3A_8 : memref<1000000x64xf32, #tpu.memory_space<hbm>>) dst(%arg8 : memref<512x64xf32, #tpu.memory_space<vmem>>)
    "tpu.region"() ({
      %run_scoped3A = tpu.sem_alloc : memref<!tpu.dma_semaphore, #tpu.memory_space<semaphore_mem>>
      %dma_start3A_11 = arith.constant 0 : i32
      %dma_start3A_12 = tpu.memref_slice %arg5[%mul3A_2, %dma_start3A_11] : memref<16384x64xf32, #tpu.memory_space<hbm>> -> memref<512x64xf32, #tpu.memory_space<hbm>>
      %dma_start3A_13 = arith.constant 0 : i32
      %dma_start3A_14 = tpu.memref_slice %arg5[%mul3A_2, %dma_start3A_13] : memref<16384x64xf32, #tpu.memory_space<hbm>> -> memref<512x64xf32, #tpu.memory_space<hbm>>
      tpu.enqueue_dma source(%arg8 : memref<512x64xf32, #tpu.memory_space<vmem>>) target(%dma_start3A_14 : memref<512x64xf32, #tpu.memory_space<hbm>>) target_semaphore(%run_scoped3A : memref<!tpu.dma_semaphore, #tpu.memory_space<semaphore_mem>>)
      %dma_wait3A_15 = arith.constant 0 : i32
      %dma_wait3A_16 = tpu.memref_slice %arg5[%mul3A_2, %dma_wait3A_15] : memref<16384x64xf32, #tpu.memory_space<hbm>> -> memref<512x64xf32, #tpu.memory_space<hbm>>
      %dma_wait3A_17 = arith.constant 0 : i32
      %dma_wait3A_18 = tpu.memref_slice %arg5[%mul3A_2, %dma_wait3A_17] : memref<16384x64xf32, #tpu.memory_space<hbm>> -> memref<512x64xf32, #tpu.memory_space<hbm>>
      tpu.wait_dma2 semaphore(%run_scoped3A : memref<!tpu.dma_semaphore, #tpu.memory_space<semaphore_mem>>) src(%arg8 : memref<512x64xf32, #tpu.memory_space<vmem>>) dst(%dma_wait3A_18 : memref<512x64xf32, #tpu.memory_space<hbm>>)
      tpu.yield
    }) : () -> ()
    %dma_wait3A_9 = arith.constant 0 : i32
    %dma_wait3A_10 = tpu.memref_slice %arg4[%dma_wait3A_9] : memref<1000000xf32, #tpu.memory_space<hbm>> -> memref<1000000xf32, #tpu.memory_space<hbm>>
    tpu.wait_indirect_dma semaphore(%arg11 : memref<!tpu.dma_semaphore, #tpu.memory_space<semaphore_mem>>) src(%dma_wait3A_10 : memref<1000000xf32, #tpu.memory_space<hbm>>) dst(%arg9 : memref<512xf32, #tpu.memory_space<vmem>>)
    "tpu.region"() ({
      %run_scoped3A = tpu.sem_alloc : memref<!tpu.dma_semaphore, #tpu.memory_space<semaphore_mem>>
      %dma_start3A_11 = tpu.memref_slice %arg6[%mul3A_2] : memref<16384xf32, #tpu.memory_space<hbm>> -> memref<512xf32, #tpu.memory_space<hbm>>
      %dma_start3A_12 = tpu.memref_slice %arg6[%mul3A_2] : memref<16384xf32, #tpu.memory_space<hbm>> -> memref<512xf32, #tpu.memory_space<hbm>>
      tpu.enqueue_dma source(%arg9 : memref<512xf32, #tpu.memory_space<vmem>>) target(%dma_start3A_12 : memref<512xf32, #tpu.memory_space<hbm>>) target_semaphore(%run_scoped3A : memref<!tpu.dma_semaphore, #tpu.memory_space<semaphore_mem>>)
      %dma_wait3A_13 = tpu.memref_slice %arg6[%mul3A_2] : memref<16384xf32, #tpu.memory_space<hbm>> -> memref<512xf32, #tpu.memory_space<hbm>>
      %dma_wait3A_14 = tpu.memref_slice %arg6[%mul3A_2] : memref<16384xf32, #tpu.memory_space<hbm>> -> memref<512xf32, #tpu.memory_space<hbm>>
      tpu.wait_dma2 semaphore(%run_scoped3A : memref<!tpu.dma_semaphore, #tpu.memory_space<semaphore_mem>>) src(%arg9 : memref<512xf32, #tpu.memory_space<vmem>>) dst(%dma_wait3A_14 : memref<512xf32, #tpu.memory_space<hbm>>)
      tpu.yield
    }) : () -> ()
    return
  }
}

module attributes {stable_mosaic.version = 14 : i64} {
  func.func @_pred_block(%arg0: i32, %arg1: memref<2048x64xf32, #tpu.memory_space<vmem>>, %arg2: memref<2048x64xf32, #tpu.memory_space<vmem>>, %arg3: memref<2048xf32, #tpu.memory_space<vmem>>, %arg4: memref<2048xf32, #tpu.memory_space<vmem>>, %arg5: memref<1xf32, #tpu.memory_space<smem>>, %arg6: memref<2048xf32, #tpu.memory_space<vmem>>) attributes {dimension_semantics = [#tpu.dimension_semantics<arbitrary>], iteration_bounds = array<i64: 8>, scalar_prefetch = 0 : i64, scratch_operands = 0 : i64, tpu.core_type = #tpu.core_type<tc>, window_params = [{transform_indices = @transform_0, window_bounds = array<i64: 2048, 64>}, {transform_indices = @transform_1, window_bounds = array<i64: 2048, 64>}, {transform_indices = @transform_2, window_bounds = array<i64: 2048>}, {transform_indices = @transform_3, window_bounds = array<i64: 2048>}, {transform_indices = @transform_4, window_bounds = array<i64: 1>}, {transform_indices = @transform_5, window_bounds = array<i64: 2048>}]} {
    %get3A = arith.constant 0 : index
    %get3A_0 = arith.constant 0 : index
    %get3A_1 = vector.load %arg1[%get3A, %get3A_0] : memref<2048x64xf32, #tpu.memory_space<vmem>>, vector<2048x64xf32>
    %get3A_2 = arith.constant 0 : index
    %get3A_3 = arith.constant 0 : index
    %get3A_4 = vector.load %arg2[%get3A_2, %get3A_3] : memref<2048x64xf32, #tpu.memory_space<vmem>>, vector<2048x64xf32>
    %mul3A = arith.mulf %get3A_1, %get3A_4 : vector<2048x64xf32>
    %reduce_sum3A = arith.constant dense<0.000000e+00> : vector<2048xf32>
    %reduce_sum3A_5 = vector.multi_reduction <add>, %mul3A, %reduce_sum3A [1] : vector<2048x64xf32> to vector<2048xf32>
    %get3A_6 = arith.constant 0 : index
    %get3A_7 = vector.load %arg3[%get3A_6] : memref<2048xf32, #tpu.memory_space<vmem>>, vector<2048xf32>
    %add3A = arith.addf %reduce_sum3A_5, %get3A_7 : vector<2048xf32>
    %get3A_8 = arith.constant 0 : index
    %get3A_9 = vector.load %arg4[%get3A_8] : memref<2048xf32, #tpu.memory_space<vmem>>, vector<2048xf32>
    %add3A_10 = arith.addf %add3A, %get3A_9 : vector<2048xf32>
    %get3A_11 = arith.constant 0 : index
    %get3A_12 = memref.load %arg5[%get3A_11] : memref<1xf32, #tpu.memory_space<smem>>
    %add3A_13 = vector.broadcast %get3A_12 : f32 to vector<2048xf32>
    %add3A_14 = arith.addf %add3A_10, %add3A_13 : vector<2048xf32>
    %swap3A = arith.constant 0 : index
    %swap3A_15 = vector.load %arg6[%swap3A] : memref<2048xf32, #tpu.memory_space<vmem>>, vector<2048xf32>
    tpu.vector_store %arg6[%swap3A], %add3A_14 {strides = array<i32>} : memref<2048xf32, #tpu.memory_space<vmem>>, vector<2048xf32>,
    return
  }
  func.func @transform_0(%arg0: i32) -> (i32, i32) {
    %c0_i32 = arith.constant 0 : i32
    %c0_i32_0 = arith.constant 0 : i32
    return %arg0, %c0_i32 : i32, i32
  }
  func.func @transform_1(%arg0: i32) -> (i32, i32) {
    %c0_i32 = arith.constant 0 : i32
    %c0_i32_0 = arith.constant 0 : i32
    return %arg0, %c0_i32 : i32, i32
  }
  func.func @transform_2(%arg0: i32) -> i32 {
    %c0_i32 = arith.constant 0 : i32
    return %arg0 : i32
  }
  func.func @transform_3(%arg0: i32) -> i32 {
    %c0_i32 = arith.constant 0 : i32
    return %arg0 : i32
  }
  func.func @transform_4(%arg0: i32) -> i32 {
    %c0_i32 = arith.constant 0 : i32
    %c0_i32_0 = arith.constant 0 : i32
    return %c0_i32 : i32
  }
  func.func @transform_5(%arg0: i32) -> i32 {
    %c0_i32 = arith.constant 0 : i32
    return %arg0 : i32
  }
}

</mosaic_0001>

<sc_bundles>
// kernel: kernel.5.cloned.1.call-start
scs
__scs_entry_jumppad:
0x0: {  	(pc) =	sbr.rel $0x88, $3  }
0x1: {  	(tag) =	ssettag $0x0;
	lr =	simm.s32 $0x1  }
0x2: {  	[smem:$0x3F9A] =	sst lr;
	_ =	strace $0xD0000000  }
0x3: {  	_ = 	snop  }
0x4: {  	_ = 	snop  }
0x5: {  	_ = 	snop  }
0x6: {  	_ = 	snop  }
0x7: {  	_ = 	snop  }
__scs_overlays_trampoline_lowered:
0x8: {  	[smem:$0x3FA9] =	sst s0  }
0x9: {  	[smem:$0x3FAA] =	sst s1  }
0xa: {  	[smem:$0x3FAB] =	sst s2  }
0xb: {  	[smem:$0x3FAC] =	sst s3  }
0xc: {  	[smem:$0x3FAD] =	sst s4  }
0xd: {  	[smem:$0x3FAE] =	sst s5  }
0xe: {  	[smem:$0x3FAF] =	sst s6  }
0xf: {  	[smem:$0x3FB0] =	sst s7  }
0x10: {  	[smem:$0x3FB1] =	sst s8  }
0x11: {  	[smem:$0x3FB2] =	sst s9;
	s0 =	simm.s32 @!p0 $0x0  }
0x12: {  	s1 =	sld [smem:$0x3F98];
	s0 =	simm.s32 @p0 $0x1  }
0x13: {  	[smem:$0x3FB3] =	sst s0;
	s0 =	simm.s32 @!p1 $0x0  }
0x14: {  	s2 =	sld [smem:$0x3F97];
	s0 =	simm.s32 @p1 $0x1  }
0x15: {  	[smem:$0x3FB4] =	sst s0;
	s0 =	simm.s32 @!p2 $0x0  }
0x16: {  	s3 =	sld [smem:$0x3FDB];
	s0 =	simm.s32 @p2 $0x1  }
0x17: {  	s4 =	simm.s32 $0x1BF5;
	[smem:$0x3FB6] =	sst s0  }
0x18: {  	s0 =	sld [smem:$0x3F99];
	_ =	swait.ge [sflag:s4], $0x0  }
0x19: {  	s7 =	sld [smem:$0x3F9A]  }
0x1a: {  	s8 =	sadd.s32 $0xFFFFE003, lr  }
0x1b: {  	s9 =	sadd.s32 $0xFFFFFEF7, lr;
	s5 =	simm.s32 $0xFFFFFFFF;
	p2 =	slt.u32 s8, $0xFFFFF086  }
0x1c: {  	p1 =	slt.u32 s9, $0xF7A;
	s5 =	simm.s32 @!p2 $0x0  }
0x1d: {  	s5 =	simm.s32 @p1 $0x1;
	p0 =	seq.s32 s7, s2  }
0x1e: {  	s7 =	smul.u32 @!p0 $0xF7A, s2;
	p2 =	seq.s32 @!p0 s5, $0x0  }
0x1f: {  	s9 =	smul.u32 $0xF7A, s1;
	s8 =	simm.s32 @!p0 $0x1BF5;
	p2 =	por !p2, p0  }
0x20: {  	[sflag:s8] =	ssyncset.s32 @!p0 $0xFFFFF086;
	s6 =	sadd.s32 @!p0 s3, s7;
	s7 =	simm.s32 @!p0 $0x108  }
0x21: {  	s3 =	sadd.s32 s3, s9;
	s6 =	sadd.s32 @!p0 $0x88, s6;
	s7 =	simm.s32 @p2 $0x1082  }
0x22: {  	[simem:s7], [sflag:s8] =	dma.local @!p0 [hbm:s6], $0xF7A  }
0x23: {  	s9 =	sor.u32 $0xD0000000, s2;
	s6 =	simm.s32 $0x108;
	_ =	swait.ge @!p0 [sflag:s8], $0x0  }
0x24: {  	s3 =	sadd.s32 $0x88, s3;
	s6 =	simm.s32 @!p1 $0x1082;
	[sflag:s4] =	ssyncset.s32 $0xFFFFF086  }
0x25: {  	[simem:s6], [sflag:s4] =	dma.local [hbm:s3], $0xF7A  }
0x26: {  	[smem:$0x3F9A] =	sst s1;
	(tag) =	ssettag s2;
	_ =	strace s9  }
0x27: {  	s1 =	sld [smem:$0x3FAA]  }
0x28: {  	s2 =	sld [smem:$0x3FAB]  }
0x29: {  	s4 =	sld [smem:$0x3FAD]  }
0x2a: {  	p0 =	seq.s32 s5, $0x0;
	s5 =	sld [smem:$0x3FAE]  }
0x2b: {  	s6 =	sld [smem:$0x3FAF]  }
0x2c: {  	s7 =	sld [smem:$0x3FB0]  }
0x2d: {  	s3 =	simm.s32 $0x108;
	s8 =	sld [smem:$0x3FB1]  }
0x2e: {  	s3 =	simm.s32 @!p0 $0x1082;
	s9 =	sld [smem:$0x3FB2]  }
0x2f: {  	lr =	sadd.s32 s0, s3;
	s0 =	sld [smem:$0x3FA9]  }
0x30: {  	s3 =	sld [smem:$0x3FAC]  }
0x31: {  	[smem:$0x3FB5] =	sst s10  }
0x32: {  	s10 =	sld [smem:$0x3FB3];
	_ =	sdelay $0x3  }
0x33: {  	p0 =	seq.s32 s10, $0x1;
	s10 =	sld [smem:$0x3FB5];
	_ =	sdelay $0x3  }
0x34: {  	[smem:$0x3FB5] =	sst s10  }
0x35: {  	s10 =	sld [smem:$0x3FB4];
	_ =	sdelay $0x3  }
0x36: {  	p1 =	seq.s32 s10, $0x1;
	s10 =	sld [smem:$0x3FB5];
	_ =	sdelay $0x3  }
0x37: {  	[smem:$0x3FB5] =	sst s10  }
0x38: {  	s10 =	sld [smem:$0x3FB6]  }
0x39: {  	_ = 	snop;
	(pc) =	sbr.ind lr, $3  }
0x3a: {  	_ = 	snop  }
0x3b: {  	_ = 	snop  }
0x3c: {  	p2 =	seq.s32 s10, $0x1;
	s10 =	sld [smem:$0x3FB5]  }
0x3d: {  	_ =	shalt  }
0x3e: {  	_ =	shalt  }
0x3f: {  	_ =	shalt  }
0x40: {  	_ =	shalt  }
0x41: {  	_ =	shalt  }
0x42: {  	_ =	shalt  }
0x43: {  	_ =	shalt  }
0x44: {  	_ =	shalt  }
0x45: {  	_ =	shalt  }
0x46: {  	_ =	shalt  }
0x47: {  	_ =	shalt  }
0x48: {  	_ =	shalt  }
0x49: {  	_ =	shalt  }
0x4a: {  	_ =	shalt  }
0x4b: {  	_ =	shalt  }
0x4c: {  	_ =	shalt  }
0x4d: {  	_ =	shalt  }
0x4e: {  	_ =	shalt  }
0x4f: {  	_ =	shalt  }
0x50: {  	_ =	shalt  }
0x51: {  	_ =	shalt  }
0x52: {  	_ =	shalt  }
0x53: {  	_ =	shalt  }
0x54: {  	_ =	shalt  }
0x55: {  	_ =	shalt  }
0x56: {  	_ =	shalt  }
0x57: {  	_ =	shalt  }
0x58: {  	_ =	shalt  }
0x59: {  	_ =	shalt  }
0x5a: {  	_ =	shalt  }
0x5b: {  	_ =	shalt  }
0x5c: {  	_ =	shalt  }
0x5d: {  	_ =	shalt  }
0x5e: {  	_ =	shalt  }
0x5f: {  	_ =	shalt  }
0x60: {  	_ =	shalt  }
0x61: {  	_ =	shalt  }
0x62: {  	_ =	shalt  }
0x63: {  	_ =	shalt  }
0x64: {  	_ =	shalt  }
0x65: {  	_ =	shalt  }
0x66: {  	_ =	shalt  }
0x67: {  	_ =	shalt  }
0x68: {  	_ =	shalt  }
0x69: {  	_ =	shalt  }
0x6a: {  	_ =	shalt  }
0x6b: {  	_ =	shalt  }
0x6c: {  	_ =	shalt  }
0x6d: {  	_ =	shalt  }
0x6e: {  	_ =	shalt  }
0x6f: {  	_ =	shalt  }
0x70: {  	_ =	shalt  }
0x71: {  	_ =	shalt  }
0x72: {  	_ =	shalt  }
0x73: {  	_ =	shalt  }
0x74: {  	_ =	shalt  }
0x75: {  	_ =	shalt  }
0x76: {  	_ =	shalt  }
0x77: {  	_ =	shalt  }
0x78: {  	_ =	shalt  }
0x79: {  	_ =	shalt  }
0x7a: {  	_ =	shalt  }
0x7b: {  	_ =	shalt  }
0x7c: {  	_ =	shalt  }
0x7d: {  	_ =	shalt  }
0x7e: {  	_ =	shalt  }
0x7f: {  	_ =	shalt  }
0x80: {  	_ =	shalt  }
0x81: {  	_ =	shalt  }
0x82: {  	_ =	shalt  }
0x83: {  	_ =	shalt  }
0x84: {  	_ =	shalt  }
0x85: {  	_ =	shalt  }
0x86: {  	_ =	shalt  }
0x87: {  	_ =	shalt  }
.Lfunc_end0:
.L_simem_size_0:
called_computation_lowered:
.L_overlay_start_0:
0x88: {  	s2 =	sld [smem:$0x3FD9]  }
0x89: {  	s3 =	sld [smem:$0x3FFE];
	_ =	sdelay $0x1  }
0x8a: {  	s1 =	srdreg.scid  }
0x8b: {  	s0 =	sand.u32 $0x1, s1  }
0x8c: {  	s15 =	sshll.u32 s0, $0xA;
	s2 =	sadd.s32 s3, s2  }
0x8d: {  	s2 =	sadd.s32 s2, s15  }
0x8e: {  	[smem:$0x3FC1] =	sst s2  }
0x8f: {  	_ = 	snop  }
0x90: {  	s16 =	sld [smem:$0x3FD0];
	_ =	sdelay $0x2  }
0x91: {  	s5 =	simm.s32 $0xB;
	s4 =	simm.s32 $0x10;
	s2 =	sld [smem:$0x3FC9]  }
0x92: {  	[smem:s4], [sflag:s5] =	dma.local [hbm:s16], $0x1  }
0x93: {  	_ =	swait.eq [sflag:s5], $0x1  }
0x94: {  	[sflag:s5] =	ssyncset.done $0x0  }
0x95: {  	s17 =	sld [smem:$0x10];
	[sflag:s5] =	ssyncadd.s32 $0xFFFFFFFF  }
0x96: {  	s18 =	sld [smem:$0x12];
	(tm) =	ssettm $0x1  }
0x97: {  	s19 =	sld [smem:$0x3FFB];
	_ =	sdelay $0x3  }
0x98: {  	_ =	strace s19  }
0x99: {  	s3 =	sld [smem:$0x3FFC];
	_ =	sdelay $0x3  }
0x9a: {  	_ =	strace s3  }
0x9b: {  	s3 =	sld [smem:$0x3FFD];
	_ =	sdelay $0x3  }
0x9c: {  	_ =	strace s3  }
0x9d: {  	_ =	strace $0x8FFFFFFF  }
0x9e: {  	s20 =	sld [smem:$0x3FDB];
	_ =	sdelay $0x1  }
0x9f: {  	s6 =	simm.s32 $_scs_section_size  }
0xa0: {  	s7 =	simm.s32 $_size__tile_overlayer_lowered;
	s8 =	simm.s32 $_tile_overlayer_lowered  }
0xa1: {  	s9 =	simm.s32 $0x1BFF;
	s21 =	sshll.u32 s8, $0x1;
	s6 =	sadd.s32 s6, s20  }
0xa2: {  	s22 =	simm.s32 $0x0;
	s7 =	sshll.u32 s7, $0x1;
	s8 =	sadd.s32 s21, s6  }
0xa3: {  	[timem:s22], [sflag:s9] =	dma.local [hbm:s8], s7  }
0xa4: {  	_ =	swait.ge [sflag:s9], s7  }
0xa5: {  	s7 =	ssub.s32 $0x0, s7;
	[sflag:s9] =	ssyncset.done $0x0  }
0xa6: {  	[sflag:s9] =	ssyncadd.s32 s7;
	_ =	sdelay $0x1  }
0xa7: {  	s23 =	simm.s32 $0x1B8B  }
0xa8: {  	_ =	swait.ge [sflag:s23], $0x1  }
0xa9: {  	[sflag:s23] =	ssyncset.done $0x0  }
0xaa: {  	[sflag:s23] =	ssyncadd.s32 $0xFFFFFFFF  }
0xab: {  	s7 =	sld [smem:$0x0]  }
0xac: {  	s8 =	sand.u32 $0xFFFFFFFE, s1  }
0xad: {  	p0 =	sne.s32 s1, s8  }
0xae: {  	s8 =	sshll.u32 @p0 s8, $0xE  }
0xaf: {  	s8 =	sadd.s32 @p0 $0x11B8D, s8;
	s9 =	sshll.u32 @p0 s7, $0x11  }
0xb0: {  	s8 =	sor.u32 @p0 s9, s8  }
0xb1: {  	[sflag:s8] =	ssyncadd.remote.s32 @p0 $0x1;
	_ =	sdelay $0x1  }
0xb2: {  	s8 =	simm.s32 @p0 $0x1B8D  }
0xb3: {  	_ =	swait.eq @p0 [sflag:s8], $0x1  }
0xb4: {  	[sflag:s8] =	ssyncadd.s32 @p0 $0xFFFFFFFF  }
0xb5: {  	s9 =	sshll.u32 @!p0 s1, $0xE  }
0xb6: {  	s9 =	sor.u32 @!p0 $0x4000, s9;
	s8 =	simm.s32 @!p0 $0x1B8D  }
0xb7: {  	s7 =	sshll.u32 @!p0 s7, $0x11;
	s9 =	sadd.s32 @!p0 $0x11B8D, s9;
	_ =	swait.eq @!p0 [sflag:s8], $0x1  }
0xb8: {  	s7 =	sor.u32 @!p0 s7, s9;
	[sflag:s8] =	ssyncadd.s32 @!p0 $0xFFFFFFFF  }
0xb9: {  	s25 =	simm.s32 $0x1B8E;
	s24 =	sld [smem:$0x3FFE];
	[sflag:s7] =	ssyncadd.remote.s32 @!p0 $0x1  }
0xba: {  	s26 =	simm.s32 $execute0_lowered;
	[smem:$0x3FD2] =	sst s25  }
0xbb: {  	s8 =	sshll.u32 s26, $0x1;
	_ =	strace $0x80000049;
	[dreg:$0x1] =	wrdreg $0xFFFFFFFF  }
0xbc: {  	s28 =	simm.s32 $_size_execute0_lowered;
	s6 =	sadd.s32 s6, s8;
	[dreg:$0x0] =	wrdreg $0x0  }
0xbd: {  	s8 =	sshll.u32 s28, $0x1;
	[dreg:$0x2] =	wrdreg s6  }
0xbe: {  	[dreg:$0x3] =	wrdreg s8  }
0xbf: {  	[dreg:$0x4] =	wrdreg $0xC0  }
0xc0: {  	_ =	task [dreg:s22], $0x5FFFF  }
0xc1: {  	[dreg:$0x1] =	wrdreg $0xFFFFFFFF  }
0xc2: {  	[dreg:$0x0] =	wrdreg $0x60  }
0xc3: {  	[dreg:$0x2] =	wrdreg s2  }
0xc4: {  	[dreg:$0x3] =	wrdreg s24  }
0xc5: {  	[dreg:$0x4] =	wrdreg s18  }
0xc6: {  	[dreg:$0x5] =	wrdreg s17  }
0xc7: {  	[dreg:$0x6] =	wrdreg $0x9  }
0xc8: {  	_ =	task.clear_ibuf [dreg:s22], $0x7FFFF;
	_ =	strace $0x90000049  }
0xc9: {  	s29 =	simm.s32 $0x9;
	_ =	strace $0x8000004B  }
0xca: {  	_ =	swait.ge [sflag:s29], $0x1  }
0xcb: {  	[sflag:s29] =	ssyncadd.s32 $0xFFFFFFFF  }
0xcc: {  	_ =	strace $0x9000004B  }
0xcd: {  	_ =	sfence  }
0xce: {  	s30 =	sld [smem:$0x0];
	_ =	sdelay $0x2  }
0xcf: {  	s31 =	sshll.u32 s1, $0xD;
	s1 =	sshrl.u32 s1, $0x2  }
0xd0: {  	s4 =	sand.u32 $0x4000, s31;
	s1 =	sadd.s32 s1, s30  }
0xd1: {  	s0 =	sor.u32 s4, s0;
	s1 =	sshll.u32 s1, $0x11  }
0xd2: {  	s0 =	sor.u32 s1, s0  }
0xd3: {  	s0 =	sadd.s32 $0x8F2B, s0  }
0xd4: {  	[sflag:s0] =	ssyncadd.remote.s32 $0x1  }
0xd5: {  	_ =	sfence.sel $0xFFFF  }
0xd6: {  	[dreg:$0x0] =	wrdreg $0xFFFFFFFF;
	(pc) =	sbr.abs _section_cstart, $3  }
0xd7: {  	[dreg:$0x1] =	wrdreg $0xFFFFFFFF  }
0xd8: {  	_ =	task.clear_ibuf [dreg:s22], $0x2FFFF;
	_ =	strace $0x9FFFFFFF  }
0xd9: {  	(tm) =	ssettm $0x7FFFFFFF  }
tec
execute0_lowered:
.L_overlay_start_1:
0x0: {  	(tag) =	ssettag $0x1  }
0x1: {  	s3 =	rddreg [dreg:$0x0]  }
0x2: {  	s7 =	rddreg [dreg:$0x1];
	s1 =	srdreg.scid  }
0x3: {  	s10 =	rddreg [dreg:$0x2];
	s0 =	stileid.u32;
	s11 =	sand.u32 $0x1, s1  }
0x4: {  	s12 =	rddreg [dreg:$0x3];
	s4 =	sshll.u32 s0, $0xA;
	s5 =	sshll.u32 s11, $0x9  }
0x5: {  	s2 =	simm.s32 $0x0;
	s1 =	rddreg [dreg:$0x4];
	s13 =	sor.u32 s5, s4  }
0x6: {  	[smem:$0x7FF] =	sst s2;
	s14 =	sshrl.u32 s13, $0x3  }
0x7: {  	_ =	strace $0x8000004A;
	s4 =	sadd.s32 s3, s14;
	s3 =	simm.s32 $0x3  }
0x8: {  	[tilespmem:s2], [sflag:$0x3] =	stream.linear.gather [hbm4b:s4+s2], $0x200, $0x38;
	[tilespmem:$0x8400] =	vst v63  }
0x9: {  	_ =	swait.ge [sflag:s3], $0x200  }
0xa: {  	[sflag:s3] =	ssyncset.done $0x0  }
0xb: {  	s6 =	simm.s32 $0x200;
	s5 =	sadd.s32 $0x20000, s7;
	[sflag:s3] =	ssyncadd.s32 $0xFFFFFE00  }
0xc: {  	[tilespmem:s6], [sflag:$0x1] =	stream.indirect.gather [hbm4b:s5+s6], $0x40, s2, s6, $0xb8;
	[tilespmem:$0x8400] =	vst v63  }
0xd: {  	s8 =	simm.s32 $0x8200;
	s9 =	simm.s32 $0x1;
	s7 =	sadd.s32 $0x7C1200, s7  }
0xe: {  	[tilespmem:s8], [sflag:$0x2] =	stream.indirect.gather [hbm4b:s7+s6], $0x1, s2, s6, $0xb8;
	[tilespmem:$0x8400] =	vst v63  }
0xf: {  	_ =	swait.ge [sflag:s9], $0x8000  }
0x10: {  	s13 =	sshll.u32 s13, $0x3;
	[sflag:s9] =	ssyncset.done $0x0  }
0x11: {  	s31 =	ssub.s32 $0x2, s11;
	s10 =	sadd.s32 s10, s13;
	[sflag:s9] =	ssyncadd.s32 $0xFFFF8000  }
0x12: {  	[hbm4b:s10+s2] =	stream.linear.scatter [tilespmem:s6], [sflag:$0x3], $0x8000, $0x38;
	[tilespmem:$0x8400] =	vst v63  }
0x13: {  	s15 =	sshrl.u32 s31, $0x1;
	_ =	swait.ge [sflag:s3], $0x8000  }
0x14: {  	s13 =	ssub.s32 s31, s15;
	[sflag:s3] =	ssyncset.done $0x0  }
0x15: {  	s11 =	simm.s32 $0x2;
	s13 =	smax.u32 s13, $0x1;
	[sflag:s3] =	ssyncadd.s32 $0xFFFF8000  }
0x16: {  	p0 =	sne.s32 s13, $0x1;
	_ =	swait.ge [sflag:s11], $0x200  }
.Ltmp0:
0x17: {  	[sflag:s11] =	ssyncset.done $0x0;
	(pc) =	sbr.rel @!p0 .LBB2_2-.Ltmp0, $4  }
0x18: {  	s12 =	sadd.s32 s12, s14;
	[sflag:s11] =	ssyncadd.s32 $0xFFFFFE00  }
0x19: {  	[hbm4b:s12+s2] =	stream.linear.scatter [tilespmem:s8], [sflag:$0x3], $0x200, $0x38;
	[tilespmem:$0x8400] =	vst v63  }
0x1a: {  	_ =	swait.ge [sflag:s3], $0x200  }
0x1b: {  	s13 =	sadd.s32 $0xFFFFFFFF, s13;
	[sflag:s3] =	ssyncset.done $0x0  }
.LBB2_1:
0x1c: {  	p0 =	sne.s32 s13, $0x1;
	s13 =	sadd.s32 $0xFFFFFFFF, s13;
	[sflag:s3] =	ssyncadd.s32 $0xFFFFFE00  }
0x1d: {  	[tilespmem:s2], [sflag:$0x3] =	stream.linear.gather [hbm4b:s4+s2], $0x200, $0x38;
	[tilespmem:$0x8400] =	vst v63  }
0x1e: {  	_ =	swait.ge [sflag:s3], $0x200  }
0x1f: {  	[sflag:s3] =	ssyncset.done $0x0  }
0x20: {  	[sflag:s3] =	ssyncadd.s32 $0xFFFFFE00  }
0x21: {  	[tilespmem:s6], [sflag:$0x1] =	stream.indirect.gather [hbm4b:s5+s6], $0x40, s2, s6, $0xb8;
	[tilespmem:$0x8400] =	vst v63  }
0x22: {  	_ = 	snop  }
0x23: {  	[tilespmem:s8], [sflag:$0x2] =	stream.indirect.gather [hbm4b:s7+s6], $0x1, s2, s6, $0xb8;
	[tilespmem:$0x8400] =	vst v63  }
0x24: {  	_ =	swait.ge [sflag:s9], $0x8000  }
0x25: {  	[sflag:s9] =	ssyncset.done $0x0  }
0x26: {  	[sflag:s9] =	ssyncadd.s32 $0xFFFF8000  }
0x27: {  	[hbm4b:s10+s2] =	stream.linear.scatter [tilespmem:s6], [sflag:$0x3], $0x8000, $0x38;
	[tilespmem:$0x8400] =	vst v63  }
0x28: {  	_ =	swait.ge [sflag:s3], $0x8000  }
0x29: {  	[sflag:s3] =	ssyncset.done $0x0  }
0x2a: {  	[sflag:s3] =	ssyncadd.s32 $0xFFFF8000  }
0x2b: {  	_ =	swait.ge [sflag:s11], $0x200  }
.Ltmp1:
0x2c: {  	[sflag:s11] =	ssyncset.done $0x0;
	(pc) =	sbr.rel @p0 .LBB2_1-.Ltmp1, $4  }
0x2d: {  	[sflag:s11] =	ssyncadd.s32 $0xFFFFFE00  }
0x2e: {  	[hbm4b:s12+s2] =	stream.linear.scatter [tilespmem:s8], [sflag:$0x3], $0x200, $0x38;
	[tilespmem:$0x8400] =	vst v63  }
0x2f: {  	_ =	swait.ge [sflag:s3], $0x200  }
0x30: {  	[sflag:s3] =	ssyncset.done $0x0  }
.LBB2_2:
0x31: {  	[sflag:s3] =	ssyncadd.s32 $0xFFFFFE00  }
0x32: {  	_ =	sfence.sel $0x180000  }
0x33: {  	[bflag:$0x0] =	sbarrier.arrive $0xFFFF  }
0x34: {  	p0 =	sne.s32 s0, $0x0;
	_ =	strace $0x9000004A  }
0x35: {  	s0 =	sadd.s32 @!p0 $0x100000, s1;
	[bflag:$0x2] =	sbarrier.arrive $0xFFFF  }
0x36: {  	[sflag:s0] =	ssyncadd.tile.s32 @!p0 $0x1;
	_ =	shalt  }
.Lfunc_end2:
_tile_overlayer_lowered:
.L_overlay_start_2:
0x37: {  	(tag) =	ssettag $0x2  }
0x38: {  	s0 =	rddreg [dreg:$0x0];
	s2 =	stileid.u32  }
0x39: {  	s1 =	rddreg [dreg:$0x1];
	p0 =	sne.s32 s2, $0x0  }
0x3a: {  	s3 =	rddreg [dreg:$0x2];
	[bflag:$0x3] =	sbarrier.arrive $0xFFFF;
	s2 =	simm.s32 @!p0 $0x1C03  }
0x3b: {  	[timem:s3], [sflag:s2] =	dma.local @!p0 [hbm:s0], s1  }
0x3c: {  	s0 =	simm.s32 @!p0 $0x3  }
0x3d: {  	_ =	swait.ge @!p0 [sflag:s0], s1  }
0x3e: {  	s1 =	ssub.s32 @!p0 $0x0, s1;
	[sflag:s0] =	ssyncset.done @!p0 $0x0  }
0x3f: {  	[sflag:s0] =	ssyncadd.s32 @!p0 s1  }
0x40: {  	[bflag:$0x3] =	sbarrier.arrive $0xFFFF  }
0x41: {  	_ =	shalt  }

// kernel: kernel.8.cloned.1.call-start
scs
__scs_entry_jumppad:
0x0: {  	(pc) =	sbr.rel $0x88, $3  }
0x1: {  	(tag) =	ssettag $0x0;
	lr =	simm.s32 $0x1  }
0x2: {  	[smem:$0x3F9A] =	sst lr;
	_ =	strace $0xD0000000  }
0x3: {  	_ = 	snop  }
0x4: {  	_ = 	snop  }
0x5: {  	_ = 	snop  }
0x6: {  	_ = 	snop  }
0x7: {  	_ = 	snop  }
__scs_overlays_trampoline_lowered:
0x8: {  	[smem:$0x3FA9] =	sst s0  }
0x9: {  	[smem:$0x3FAA] =	sst s1  }
0xa: {  	[smem:$0x3FAB] =	sst s2  }
0xb: {  	[smem:$0x3FAC] =	sst s3  }
0xc: {  	[smem:$0x3FAD] =	sst s4  }
0xd: {  	[smem:$0x3FAE] =	sst s5  }
0xe: {  	[smem:$0x3FAF] =	sst s6  }
0xf: {  	[smem:$0x3FB0] =	sst s7  }
0x10: {  	[smem:$0x3FB1] =	sst s8  }
0x11: {  	[smem:$0x3FB2] =	sst s9;
	s0 =	simm.s32 @!p0 $0x0  }
0x12: {  	s1 =	sld [smem:$0x3F98];
	s0 =	simm.s32 @p0 $0x1  }
0x13: {  	[smem:$0x3FB3] =	sst s0;
	s0 =	simm.s32 @!p1 $0x0  }
0x14: {  	s2 =	sld [smem:$0x3F97];
	s0 =	simm.s32 @p1 $0x1  }
0x15: {  	[smem:$0x3FB4] =	sst s0;
	s0 =	simm.s32 @!p2 $0x0  }
0x16: {  	s3 =	sld [smem:$0x3FDB];
	s0 =	simm.s32 @p2 $0x1  }
0x17: {  	s4 =	simm.s32 $0x1BF5;
	[smem:$0x3FB6] =	sst s0  }
0x18: {  	s0 =	sld [smem:$0x3F99];
	_ =	swait.ge [sflag:s4], $0x0  }
0x19: {  	s7 =	sld [smem:$0x3F9A]  }
0x1a: {  	s8 =	sadd.s32 $0xFFFFE003, lr  }
0x1b: {  	s9 =	sadd.s32 $0xFFFFFEF7, lr;
	s5 =	simm.s32 $0xFFFFFFFF;
	p2 =	slt.u32 s8, $0xFFFFF086  }
0x1c: {  	p1 =	slt.u32 s9, $0xF7A;
	s5 =	simm.s32 @!p2 $0x0  }
0x1d: {  	s5 =	simm.s32 @p1 $0x1;
	p0 =	seq.s32 s7, s2  }
0x1e: {  	s7 =	smul.u32 @!p0 $0xF7A, s2;
	p2 =	seq.s32 @!p0 s5, $0x0  }
0x1f: {  	s9 =	smul.u32 $0xF7A, s1;
	s8 =	simm.s32 @!p0 $0x1BF5;
	p2 =	por !p2, p0  }
0x20: {  	[sflag:s8] =	ssyncset.s32 @!p0 $0xFFFFF086;
	s6 =	sadd.s32 @!p0 s3, s7;
	s7 =	simm.s32 @!p0 $0x108  }
0x21: {  	s3 =	sadd.s32 s3, s9;
	s6 =	sadd.s32 @!p0 $0x88, s6;
	s7 =	simm.s32 @p2 $0x1082  }
0x22: {  	[simem:s7], [sflag:s8] =	dma.local @!p0 [hbm:s6], $0xF7A  }
0x23: {  	s9 =	sor.u32 $0xD0000000, s2;
	s6 =	simm.s32 $0x108;
	_ =	swait.ge @!p0 [sflag:s8], $0x0  }
0x24: {  	s3 =	sadd.s32 $0x88, s3;
	s6 =	simm.s32 @!p1 $0x1082;
	[sflag:s4] =	ssyncset.s32 $0xFFFFF086  }
0x25: {  	[simem:s6], [sflag:s4] =	dma.local [hbm:s3], $0xF7A  }
0x26: {  	[smem:$0x3F9A] =	sst s1;
	(tag) =	ssettag s2;
	_ =	strace s9  }
0x27: {  	s1 =	sld [smem:$0x3FAA]  }
0x28: {  	s2 =	sld [smem:$0x3FAB]  }
0x29: {  	s4 =	sld [smem:$0x3FAD]  }
0x2a: {  	p0 =	seq.s32 s5, $0x0;
	s5 =	sld [smem:$0x3FAE]  }
0x2b: {  	s6 =	sld [smem:$0x3FAF]  }
0x2c: {  	s7 =	sld [smem:$0x3FB0]  }
0x2d: {  	s3 =	simm.s32 $0x108;
	s8 =	sld [smem:$0x3FB1]  }
0x2e: {  	s3 =	simm.s32 @!p0 $0x1082;
	s9 =	sld [smem:$0x3FB2]  }
0x2f: {  	lr =	sadd.s32 s0, s3;
	s0 =	sld [smem:$0x3FA9]  }
0x30: {  	s3 =	sld [smem:$0x3FAC]  }
0x31: {  	[smem:$0x3FB5] =	sst s10  }
0x32: {  	s10 =	sld [smem:$0x3FB3];
	_ =	sdelay $0x3  }
0x33: {  	p0 =	seq.s32 s10, $0x1;
	s10 =	sld [smem:$0x3FB5];
	_ =	sdelay $0x3  }
0x34: {  	[smem:$0x3FB5] =	sst s10  }
0x35: {  	s10 =	sld [smem:$0x3FB4];
	_ =	sdelay $0x3  }
0x36: {  	p1 =	seq.s32 s10, $0x1;
	s10 =	sld [smem:$0x3FB5];
	_ =	sdelay $0x3  }
0x37: {  	[smem:$0x3FB5] =	sst s10  }
0x38: {  	s10 =	sld [smem:$0x3FB6]  }
0x39: {  	_ = 	snop;
	(pc) =	sbr.ind lr, $3  }
0x3a: {  	_ = 	snop  }
0x3b: {  	_ = 	snop  }
0x3c: {  	p2 =	seq.s32 s10, $0x1;
	s10 =	sld [smem:$0x3FB5]  }
0x3d: {  	_ =	shalt  }
0x3e: {  	_ =	shalt  }
0x3f: {  	_ =	shalt  }
0x40: {  	_ =	shalt  }
0x41: {  	_ =	shalt  }
0x42: {  	_ =	shalt  }
0x43: {  	_ =	shalt  }
0x44: {  	_ =	shalt  }
0x45: {  	_ =	shalt  }
0x46: {  	_ =	shalt  }
0x47: {  	_ =	shalt  }
0x48: {  	_ =	shalt  }
0x49: {  	_ =	shalt  }
0x4a: {  	_ =	shalt  }
0x4b: {  	_ =	shalt  }
0x4c: {  	_ =	shalt  }
0x4d: {  	_ =	shalt  }
0x4e: {  	_ =	shalt  }
0x4f: {  	_ =	shalt  }
0x50: {  	_ =	shalt  }
0x51: {  	_ =	shalt  }
0x52: {  	_ =	shalt  }
0x53: {  	_ =	shalt  }
0x54: {  	_ =	shalt  }
0x55: {  	_ =	shalt  }
0x56: {  	_ =	shalt  }
0x57: {  	_ =	shalt  }
0x58: {  	_ =	shalt  }
0x59: {  	_ =	shalt  }
0x5a: {  	_ =	shalt  }
0x5b: {  	_ =	shalt  }
0x5c: {  	_ =	shalt  }
0x5d: {  	_ =	shalt  }
0x5e: {  	_ =	shalt  }
0x5f: {  	_ =	shalt  }
0x60: {  	_ =	shalt  }
0x61: {  	_ =	shalt  }
0x62: {  	_ =	shalt  }
0x63: {  	_ =	shalt  }
0x64: {  	_ =	shalt  }
0x65: {  	_ =	shalt  }
0x66: {  	_ =	shalt  }
0x67: {  	_ =	shalt  }
0x68: {  	_ =	shalt  }
0x69: {  	_ =	shalt  }
0x6a: {  	_ =	shalt  }
0x6b: {  	_ =	shalt  }
0x6c: {  	_ =	shalt  }
0x6d: {  	_ =	shalt  }
0x6e: {  	_ =	shalt  }
0x6f: {  	_ =	shalt  }
0x70: {  	_ =	shalt  }
0x71: {  	_ =	shalt  }
0x72: {  	_ =	shalt  }
0x73: {  	_ =	shalt  }
0x74: {  	_ =	shalt  }
0x75: {  	_ =	shalt  }
0x76: {  	_ =	shalt  }
0x77: {  	_ =	shalt  }
0x78: {  	_ =	shalt  }
0x79: {  	_ =	shalt  }
0x7a: {  	_ =	shalt  }
0x7b: {  	_ =	shalt  }
0x7c: {  	_ =	shalt  }
0x7d: {  	_ =	shalt  }
0x7e: {  	_ =	shalt  }
0x7f: {  	_ =	shalt  }
0x80: {  	_ =	shalt  }
0x81: {  	_ =	shalt  }
0x82: {  	_ =	shalt  }
0x83: {  	_ =	shalt  }
0x84: {  	_ =	shalt  }
0x85: {  	_ =	shalt  }
0x86: {  	_ =	shalt  }
0x87: {  	_ =	shalt  }
.Lfunc_end0:
.L_simem_size_0:
called_computation.1_lowered:
.L_overlay_start_0:
0x88: {  	s2 =	sld [smem:$0x3FD9]  }
0x89: {  	s3 =	sld [smem:$0x3FFE];
	_ =	sdelay $0x1  }
0x8a: {  	s1 =	srdreg.scid  }
0x8b: {  	s0 =	sand.u32 $0x1, s1  }
0x8c: {  	s14 =	sshll.u32 s0, $0xA;
	s2 =	sadd.s32 s3, s2  }
0x8d: {  	s2 =	sadd.s32 s2, s14  }
0x8e: {  	[smem:$0x3FC1] =	sst s2  }
0x8f: {  	_ = 	snop  }
0x90: {  	s2 =	sld [smem:$0x3FD0];
	_ =	sdelay $0x2  }
0x91: {  	s4 =	simm.s32 $0xB;
	s5 =	simm.s32 $0x10;
	s15 =	sld [smem:$0x3FC8]  }
0x92: {  	[smem:s5], [sflag:s4] =	dma.local [hbm:s2], $0x1  }
0x93: {  	_ =	swait.eq [sflag:s4], $0x1  }
0x94: {  	[sflag:s4] =	ssyncset.done $0x0  }
0x95: {  	[sflag:s4] =	ssyncadd.s32 $0xFFFFFFFF  }
0x96: {  	s16 =	sld [smem:$0x11];
	(tm) =	ssettm $0x1  }
0x97: {  	s17 =	sld [smem:$0x3FFB];
	_ =	sdelay $0x3  }
0x98: {  	_ =	strace s17  }
0x99: {  	s4 =	sld [smem:$0x3FFC];
	_ =	sdelay $0x3  }
0x9a: {  	_ =	strace s4  }
0x9b: {  	s4 =	sld [smem:$0x3FFD];
	_ =	sdelay $0x3  }
0x9c: {  	_ =	strace s4  }
0x9d: {  	_ =	strace $0x8FFFFFFF  }
0x9e: {  	s18 =	sld [smem:$0x3FDB];
	_ =	sdelay $0x1  }
0x9f: {  	s19 =	simm.s32 $_scs_section_size  }
0xa0: {  	s6 =	simm.s32 $_size__tile_overlayer_lowered;
	s7 =	simm.s32 $_tile_overlayer_lowered  }
0xa1: {  	s22 =	simm.s32 $0x1BFF;
	s21 =	sshll.u32 s7, $0x1;
	s4 =	sadd.s32 s19, s18  }
0xa2: {  	s8 =	simm.s32 $0x0;
	s20 =	sshll.u32 s6, $0x1;
	s6 =	sadd.s32 s21, s4  }
0xa3: {  	[timem:s8], [sflag:s22] =	dma.local [hbm:s6], s20  }
0xa4: {  	_ =	swait.ge [sflag:s22], s20  }
0xa5: {  	s5 =	ssub.s32 $0x0, s20;
	[sflag:s22] =	ssyncset.done $0x0  }
0xa6: {  	[sflag:s22] =	ssyncadd.s32 s5;
	_ =	sdelay $0x1  }
0xa7: {  	s23 =	simm.s32 $0x1B8B  }
0xa8: {  	_ =	swait.ge [sflag:s23], $0x1  }
0xa9: {  	[sflag:s23] =	ssyncset.done $0x0  }
0xaa: {  	s25 =	simm.s32 $0x1B8E;
	s24 =	sld [smem:$0x3FFE];
	[sflag:s23] =	ssyncadd.s32 $0xFFFFFFFF  }
0xab: {  	s26 =	simm.s32 $execute0_lowered;
	[smem:$0x3FD2] =	sst s25  }
0xac: {  	s6 =	sshll.u32 s26, $0x1;
	_ =	strace $0x80000046;
	[dreg:$0x1] =	wrdreg $0xFFFFFFFF  }
0xad: {  	s28 =	simm.s32 $_size_execute0_lowered;
	s4 =	sadd.s32 s4, s6;
	[dreg:$0x0] =	wrdreg $0x0  }
0xae: {  	s6 =	sshll.u32 s28, $0x1;
	[dreg:$0x2] =	wrdreg s4  }
0xaf: {  	[dreg:$0x3] =	wrdreg s6  }
0xb0: {  	[dreg:$0x4] =	wrdreg $0xC0  }
0xb1: {  	_ =	task [dreg:s8], $0x5FFFF  }
0xb2: {  	[dreg:$0x1] =	wrdreg $0xFFFFFFFF  }
0xb3: {  	[dreg:$0x0] =	wrdreg $0x60  }
0xb4: {  	[dreg:$0x2] =	wrdreg s15  }
0xb5: {  	[dreg:$0x3] =	wrdreg s24  }
0xb6: {  	[dreg:$0x4] =	wrdreg s16  }
0xb7: {  	[dreg:$0x5] =	wrdreg $0xA  }
0xb8: {  	_ =	task.clear_ibuf [dreg:s8], $0x6FFFF;
	_ =	strace $0x90000046  }
0xb9: {  	s29 =	simm.s32 $0xA;
	_ =	strace $0x80000048  }
0xba: {  	_ =	swait.ge [sflag:s29], $0x1  }
0xbb: {  	[sflag:s29] =	ssyncadd.s32 $0xFFFFFFFF  }
0xbc: {  	_ =	strace $0x90000048  }
0xbd: {  	_ =	sfence  }
0xbe: {  	s30 =	sld [smem:$0x0];
	_ =	sdelay $0x2  }
0xbf: {  	s31 =	sshll.u32 s1, $0xD;
	s1 =	sshrl.u32 s1, $0x2  }
0xc0: {  	s3 =	sand.u32 $0x4000, s31;
	s1 =	sadd.s32 s1, s30  }
0xc1: {  	s0 =	sor.u32 s3, s0;
	s1 =	sshll.u32 s1, $0x11  }
0xc2: {  	s0 =	sor.u32 s1, s0  }
0xc3: {  	s0 =	sadd.s32 $0x8F2B, s0  }
0xc4: {  	[sflag:s0] =	ssyncadd.remote.s32 $0x1  }
0xc5: {  	_ =	sfence.sel $0xFFFF  }
0xc6: {  	[dreg:$0x0] =	wrdreg $0xFFFFFFFF;
	(pc) =	sbr.abs _section_cstart, $3  }
0xc7: {  	[dreg:$0x1] =	wrdreg $0xFFFFFFFF  }
0xc8: {  	_ =	task.clear_ibuf [dreg:s8], $0x2FFFF;
	_ =	strace $0x9FFFFFFF  }
0xc9: {  	(tm) =	ssettm $0x7FFFFFFF  }
tec
execute0_lowered:
.L_overlay_start_1:
0x0: {  	(tag) =	ssettag $0x1  }
0x1: {  	s3 =	rddreg [dreg:$0x0];
	s1 =	srdreg.scid  }
0x2: {  	s12 =	rddreg [dreg:$0x1];
	s0 =	stileid.u32;
	s11 =	sand.u32 $0x1, s1  }
0x3: {  	s10 =	rddreg [dreg:$0x2];
	s4 =	sshll.u32 s0, $0xA;
	s5 =	sshll.u32 s11, $0x9  }
0x4: {  	s2 =	simm.s32 $0x0;
	s1 =	rddreg [dreg:$0x3];
	s13 =	sor.u32 s5, s4  }
0x5: {  	[smem:$0x7FF] =	sst s2;
	s14 =	sshrl.u32 s13, $0x3  }
0x6: {  	_ =	strace $0x80000047;
	s4 =	sadd.s32 s3, s14;
	s3 =	simm.s32 $0x3  }
0x7: {  	[tilespmem:s2], [sflag:$0x3] =	stream.linear.gather [hbm4b:s4+s2], $0x200, $0x38;
	[tilespmem:$0x8400] =	vst v63  }
0x8: {  	_ =	swait.ge [sflag:s3], $0x200  }
0x9: {  	[sflag:s3] =	ssyncset.done $0x0  }
0xa: {  	s6 =	simm.s32 $0x200;
	s5 =	sadd.s32 $0xF43200, s12;
	[sflag:s3] =	ssyncadd.s32 $0xFFFFFE00  }
0xb: {  	[tilespmem:s6], [sflag:$0x1] =	stream.indirect.gather [hbm4b:s5+s6], $0x40, s2, s6, $0xb8;
	[tilespmem:$0x8400] =	vst v63  }
0xc: {  	s8 =	simm.s32 $0x8200;
	s9 =	simm.s32 $0x1;
	s7 =	sadd.s32 $0xE00, s12  }
0xd: {  	[tilespmem:s8], [sflag:$0x2] =	stream.indirect.gather [hbm4b:s7+s6], $0x1, s2, s6, $0xb8;
	[tilespmem:$0x8400] =	vst v63  }
0xe: {  	_ =	swait.ge [sflag:s9], $0x8000  }
0xf: {  	s13 =	sshll.u32 s13, $0x3;
	[sflag:s9] =	ssyncset.done $0x0  }
0x10: {  	s31 =	ssub.s32 $0x2, s11;
	s10 =	sadd.s32 s10, s13;
	[sflag:s9] =	ssyncadd.s32 $0xFFFF8000  }
0x11: {  	[hbm4b:s10+s2] =	stream.linear.scatter [tilespmem:s6], [sflag:$0x3], $0x8000, $0x38;
	[tilespmem:$0x8400] =	vst v63  }
0x12: {  	s15 =	sshrl.u32 s31, $0x1;
	_ =	swait.ge [sflag:s3], $0x8000  }
0x13: {  	s13 =	ssub.s32 s31, s15;
	[sflag:s3] =	ssyncset.done $0x0  }
0x14: {  	s11 =	simm.s32 $0x2;
	s13 =	smax.u32 s13, $0x1;
	[sflag:s3] =	ssyncadd.s32 $0xFFFF8000  }
0x15: {  	p0 =	sne.s32 s13, $0x1;
	_ =	swait.ge [sflag:s11], $0x200  }
.Ltmp0:
0x16: {  	s12 =	sadd.s32 s14, s12;
	[sflag:s11] =	ssyncset.done $0x0;
	(pc) =	sbr.rel @!p0 .LBB2_2-.Ltmp0, $4  }
0x17: {  	s12 =	sadd.s32 $0x1F800, s12;
	[sflag:s11] =	ssyncadd.s32 $0xFFFFFE00  }
0x18: {  	[hbm4b:s12+s2] =	stream.linear.scatter [tilespmem:s8], [sflag:$0x3], $0x200, $0x38;
	[tilespmem:$0x8400] =	vst v63  }
0x19: {  	_ =	swait.ge [sflag:s3], $0x200  }
0x1a: {  	s13 =	sadd.s32 $0xFFFFFFFF, s13;
	[sflag:s3] =	ssyncset.done $0x0  }
.LBB2_1:
0x1b: {  	p0 =	sne.s32 s13, $0x1;
	s13 =	sadd.s32 $0xFFFFFFFF, s13;
	[sflag:s3] =	ssyncadd.s32 $0xFFFFFE00  }
0x1c: {  	[tilespmem:s2], [sflag:$0x3] =	stream.linear.gather [hbm4b:s4+s2], $0x200, $0x38;
	[tilespmem:$0x8400] =	vst v63  }
0x1d: {  	_ =	swait.ge [sflag:s3], $0x200  }
0x1e: {  	[sflag:s3] =	ssyncset.done $0x0  }
0x1f: {  	[sflag:s3] =	ssyncadd.s32 $0xFFFFFE00  }
0x20: {  	[tilespmem:s6], [sflag:$0x1] =	stream.indirect.gather [hbm4b:s5+s6], $0x40, s2, s6, $0xb8;
	[tilespmem:$0x8400] =	vst v63  }
0x21: {  	_ = 	snop  }
0x22: {  	[tilespmem:s8], [sflag:$0x2] =	stream.indirect.gather [hbm4b:s7+s6], $0x1, s2, s6, $0xb8;
	[tilespmem:$0x8400] =	vst v63  }
0x23: {  	_ =	swait.ge [sflag:s9], $0x8000  }
0x24: {  	[sflag:s9] =	ssyncset.done $0x0  }
0x25: {  	[sflag:s9] =	ssyncadd.s32 $0xFFFF8000  }
0x26: {  	[hbm4b:s10+s2] =	stream.linear.scatter [tilespmem:s6], [sflag:$0x3], $0x8000, $0x38;
	[tilespmem:$0x8400] =	vst v63  }
0x27: {  	_ =	swait.ge [sflag:s3], $0x8000  }
0x28: {  	[sflag:s3] =	ssyncset.done $0x0  }
0x29: {  	[sflag:s3] =	ssyncadd.s32 $0xFFFF8000  }
0x2a: {  	_ =	swait.ge [sflag:s11], $0x200  }
.Ltmp1:
0x2b: {  	[sflag:s11] =	ssyncset.done $0x0;
	(pc) =	sbr.rel @p0 .LBB2_1-.Ltmp1, $4  }
0x2c: {  	[sflag:s11] =	ssyncadd.s32 $0xFFFFFE00  }
0x2d: {  	[hbm4b:s12+s2] =	stream.linear.scatter [tilespmem:s8], [sflag:$0x3], $0x200, $0x38;
	[tilespmem:$0x8400] =	vst v63  }
0x2e: {  	_ =	swait.ge [sflag:s3], $0x200  }
0x2f: {  	[sflag:s3] =	ssyncset.done $0x0  }
.LBB2_2:
0x30: {  	[sflag:s3] =	ssyncadd.s32 $0xFFFFFE00  }
0x31: {  	_ =	sfence.sel $0x180000  }
0x32: {  	[bflag:$0x0] =	sbarrier.arrive $0xFFFF  }
0x33: {  	p0 =	sne.s32 s0, $0x0;
	_ =	strace $0x90000047  }
0x34: {  	s0 =	sadd.s32 @!p0 $0x100000, s1;
	[bflag:$0x2] =	sbarrier.arrive $0xFFFF  }
0x35: {  	[sflag:s0] =	ssyncadd.tile.s32 @!p0 $0x1;
	_ =	shalt  }
.Lfunc_end2:
_tile_overlayer_lowered:
.L_overlay_start_2:
0x36: {  	(tag) =	ssettag $0x2  }
0x37: {  	s0 =	rddreg [dreg:$0x0];
	s2 =	stileid.u32  }
0x38: {  	s1 =	rddreg [dreg:$0x1];
	p0 =	sne.s32 s2, $0x0  }
0x39: {  	s3 =	rddreg [dreg:$0x2];
	[bflag:$0x3] =	sbarrier.arrive $0xFFFF;
	s2 =	simm.s32 @!p0 $0x1C03  }
0x3a: {  	[timem:s3], [sflag:s2] =	dma.local @!p0 [hbm:s0], s1  }
0x3b: {  	s0 =	simm.s32 @!p0 $0x3  }
0x3c: {  	_ =	swait.ge @!p0 [sflag:s0], s1  }
0x3d: {  	s1 =	ssub.s32 @!p0 $0x0, s1;
	[sflag:s0] =	ssyncset.done @!p0 $0x0  }
0x3e: {  	[sflag:s0] =	ssyncadd.s32 @!p0 s1  }
0x3f: {  	[bflag:$0x3] =	sbarrier.arrive $0xFFFF  }
0x40: {  	_ =	shalt  }

</sc_bundles>
